<compile_context>
chip_gen: v7x
topology: tpu7x:2x2x1
jax: 0.10.2.dev20260603
libtpu: 0.0.44.dev20260713+nightly
codegen_flags: <defaults>
</compile_context>

<pallas_src>
import jax
import jax.numpy as jnp
from jax.experimental import pallas as pl
from jax.experimental.pallas import tpu as pltpu

_EPS = 1e-05
_G = 256
_BR = 512
_D = 480
_NMUL = 224
_NSC = 128


def _mul_of_col(j):
    return jnp.where(
        j < 128, j,
        jnp.where(j < 320, 128 + (j - 128) // 3, 192 + (j - 320) // 5))


def _stats_kernel(x_ref, b_ref, stats_ref):
    i = pl.program_id(0)

    @pl.when(i == 0)
    def _():
        stats_ref[:, :] = jnp.zeros_like(stats_ref)

    x = x_ref[:, :]
    bids = b_ref[0]
    gi = jax.lax.broadcasted_iota(jnp.int32, (_G, _BR), 0)
    onehot = (gi == bids).astype(jnp.float32)
    ones = jnp.ones((_BR, 1), jnp.float32)
    zpad = jnp.zeros((_BR, 31), jnp.float32)
    vals = jnp.concatenate([ones, x[:, :_NSC], x * x, zpad], axis=1)
    stats_ref[:, :] += jnp.dot(onehot, vals,
                               preferred_element_type=jnp.float32)


def _apply_kernel(stats_ref, x_ref, b_ref, ms_ref, w_ref, bias_ref,
                  out_ref, ab_ref):
    i = pl.program_id(0)

    @pl.when(i == 0)
    def _():
        stats = stats_ref[:, :]
        cnt = jnp.maximum(stats[:, 0:1], 1.0)
        fm = stats[:, 1:1 + _NSC] / cnt
        e2 = stats[:, 1 + _NSC:1 + _NSC + _D] / cnt

        jm = jax.lax.broadcasted_iota(jnp.int32, (_D, _NMUL), 0)
        mm = jax.lax.broadcasted_iota(jnp.int32, (_D, _NMUL), 1)
        dinv = jnp.where(mm < 128, 1.0,
                         jnp.where(mm < 192, 1.0 / 3.0, 1.0 / 5.0))
        red = jnp.where(_mul_of_col(jm) == mm, dinv, 0.0)
        norm = jnp.dot(e2, red, preferred_element_type=jnp.float32)

        ms = ms_ref[:, :]
        norm_sc = norm[:, :_NSC] - fm * fm * ms * (2.0 - ms)
        norm = jnp.concatenate([norm_sc, norm[:, _NSC:]], axis=1)
        rstd = jax.lax.rsqrt(norm + _EPS) * w_ref[:, :]

        em = jax.lax.broadcasted_iota(jnp.int32, (_NMUL, _D), 0)
        ej = jax.lax.broadcasted_iota(jnp.int32, (_NMUL, _D), 1)
        exp = (_mul_of_col(ej) == em).astype(jnp.float32)
        a_full = jnp.dot(rstd, exp, preferred_element_type=jnp.float32)
        b_sc = bias_ref[:, :] - fm * ms * rstd[:, :_NSC]

        ab_ref[:, 0:_D] = a_full
        ab_ref[:, _D:512] = jnp.zeros((_G, 512 - _D), jnp.float32)
        ab_ref[:, 512:640] = b_sc

    bids = b_ref[0]
    gi = jax.lax.broadcasted_iota(jnp.int32, (_G, _BR), 0)
    onehot = (gi == bids).astype(jnp.float32)
    abn = jax.lax.dot_general(
        onehot, ab_ref[:, :],
        dimension_numbers=(((0,), (0,)), ((), ())),
        preferred_element_type=jnp.float32)
    out = x_ref[:, :] * abn[:, 0:_D]
    out_ref[:, :] = out
    out_ref[:, 0:_NSC] = out[:, 0:_NSC] + abn[:, 512:640]


def kernel(node_input, batch, mean_shift, affine_weight, affine_bias):
    n, d = node_input.shape
    nb = pl.cdiv(n, _BR)
    npad = nb * _BR
    x = jnp.pad(node_input, ((0, npad - n), (0, 0)))
    b = jnp.pad(batch.astype(jnp.int32), (0, npad - n), constant_values=_G)
    b3 = b.reshape(nb, 1, _BR)
    ms2 = mean_shift.reshape(1, _NSC)
    w2 = affine_weight.reshape(1, _NMUL)
    bias2 = affine_bias.reshape(1, _NSC)

    stats = pl.pallas_call(
        _stats_kernel,
        grid=(nb,),
        in_specs=[
            pl.BlockSpec((_BR, _D), lambda i: (i, 0)),
            pl.BlockSpec((1, 1, _BR), lambda i: (i, 0, 0)),
        ],
        out_specs=pl.BlockSpec((_G, 640), lambda i: (0, 0)),
        out_shape=jax.ShapeDtypeStruct((_G, 640), jnp.float32),
    )(x, b3)

    out = pl.pallas_call(
        _apply_kernel,
        grid=(nb,),
        in_specs=[
            pl.BlockSpec((_G, 640), lambda i: (0, 0)),
            pl.BlockSpec((_BR, _D), lambda i: (i, 0)),
            pl.BlockSpec((1, 1, _BR), lambda i: (i, 0, 0)),
            pl.BlockSpec((1, _NSC), lambda i: (0, 0)),
            pl.BlockSpec((1, _NMUL), lambda i: (0, 0)),
            pl.BlockSpec((1, _NSC), lambda i: (0, 0)),
        ],
        out_specs=pl.BlockSpec((_BR, _D), lambda i: (i, 0)),
        out_shape=jax.ShapeDtypeStruct((npad, _D), jnp.float32),
        scratch_shapes=[pltpu.VMEM((_G, 640), jnp.float32)],
    )(stats, x, b3, ms2, w2, bias2)

    return out[:n]

# --- scband reference (transcript-rebuilt; emitter-appended) ---
"""Pipeline reference for scband-equivariant-graph-norm-25434796327202 (READ-ONLY COPY).

The authoritative reference and input builder live on the scoring server;
editing this copy changes nothing except your own understanding.
"""

import jax, jax.numpy as jnp
import numpy as np

IRREPS = [(128, 0, 1), (64, 1, -1), (32, 2, 1)]  # (mul, l, parity); dims 1,3,5 -> total 480
N = 50000
G = 256
EPS = 1e-05


def setup_inputs(seed: int = 0) -> dict:
    key = jax.random.key(seed)
    k1, k2 = jax.random.split(key)
    dim = sum(mul * (2 * l + 1) for mul, l, p in IRREPS)
    node_input = jax.random.normal(k1, (N, dim), dtype=jnp.float32)
    batch = jnp.sort(jax.random.randint(k2, (N,), 0, G, dtype=jnp.int64))
    num_scalar = sum(mul for mul, l, p in IRREPS if l == 0 and p == 1)
    num_features = sum(mul for mul, l, p in IRREPS)
    mean_shift = jnp.ones((num_scalar,), dtype=jnp.float32)
    affine_weight = jnp.ones((num_features,), dtype=jnp.float32)
    affine_bias = jnp.zeros((num_scalar,), dtype=jnp.float32)
    return {"node_input": node_input, "batch": batch, "mean_shift": mean_shift,
            "affine_weight": affine_weight, "affine_bias": affine_bias}


def reference(node_input, batch, mean_shift, affine_weight, affine_bias):
    n = node_input.shape[0]
    counts = jax.ops.segment_sum(jnp.ones((n,), jnp.float32), batch, num_segments=G)
    counts = jnp.maximum(counts, 1.0)
    fields = []
    ix = 0
    iw = 0
    ib = 0
    ims = 0
    for mul, l, p in IRREPS:
        d = 2 * l + 1
        field = node_input[:, ix:ix + mul * d].reshape(-1, mul, d)
        ix += mul * d
        if l == 0 and p == 1:
            fm = jax.ops.segment_sum(field.reshape(-1, mul), batch, num_segments=G) / counts[:, None]
            ms = mean_shift[ims:ims + mul].reshape(1, mul, 1)
            ims += mul
            field = field - fm[batch].reshape(-1, mul, 1) * ms
        # normalization == 'component'
        field_norm = jnp.mean(field ** 2, axis=-1)
        # reduce == 'mean' -> global_mean_pool over graphs
        field_norm = jax.ops.segment_sum(field_norm, batch, num_segments=G) / counts[:, None]
        field_norm = (field_norm + EPS) ** -0.5
        # affine weight
        field_norm = field_norm * affine_weight[None, iw:iw + mul]
        iw += mul
        field = field * field_norm[batch][:, :, None]
        if d == 1 and p == 1:
            field = field + affine_bias[ib:ib + mul].reshape(mul, 1)
            ib += mul
        fields.append(field.reshape(-1, mul * d))
    return jnp.concatenate(fields, axis=-1)

if __name__ == "__main__":
    import jax
    _d = setup_inputs()
    print(jax.jit(kernel)(*tuple(_d.values())))

</pallas_src>

<mosaic_0001>
module attributes {stable_mosaic.version = 14 : i64} {
  func.func @_stats_kernel(%arg0: i32, %arg1: memref<512x480xf32, #tpu.memory_space<vmem>>, %arg2: memref<1x1x512xi32, #tpu.memory_space<vmem>>, %arg3: memref<256x640xf32, #tpu.memory_space<vmem>>) attributes {dimension_semantics = [#tpu.dimension_semantics<arbitrary>], iteration_bounds = array<i64: 98>, scalar_prefetch = 0 : i64, scratch_operands = 0 : i64, tpu.core_type = #tpu.core_type<tc>, window_params = [{transform_indices = @transform_0, window_bounds = array<i64: 512, 480>}, {transform_indices = @transform_1, window_bounds = array<i64: 1, 1, 512>}, {pipeline_mode = #tpu.pipeline_mode<synchronous>, transform_indices = @transform_2, window_bounds = array<i64: 256, 640>}]} {
    %eq3A = arith.constant 0 : i32
    %eq3A_0 = arith.cmpi eq, %arg0, %eq3A : i32
    %convert_element_type3A = arith.extui %eq3A_0 : i1 to i32
    %cond3A = arith.constant 0 : i32
    %cond3A_1 = arith.cmpi ne, %convert_element_type3A, %cond3A : i32
    scf.if %cond3A_1 {
      %broadcast_in_dim3A_22 = arith.constant 0.000000e+00 : f32
      %broadcast_in_dim3A_23 = vector.broadcast %broadcast_in_dim3A_22 : f32 to vector<256x640xf32>
      %swap3A_24 = arith.constant 0 : index
      %swap3A_25 = arith.constant 0 : index
      %swap3A_26 = vector.load %arg3[%swap3A_24, %swap3A_25] : memref<256x640xf32, #tpu.memory_space<vmem>>, vector<256x640xf32>
      tpu.vector_store %arg3[%swap3A_24, %swap3A_25], %broadcast_in_dim3A_23 {strides = array<i32>} : memref<256x640xf32, #tpu.memory_space<vmem>>, vector<256x640xf32>,
    } else {
    }
    %get3A = arith.constant 0 : index
    %get3A_2 = arith.constant 0 : index
    %get3A_3 = vector.load %arg1[%get3A, %get3A_2] : memref<512x480xf32, #tpu.memory_space<vmem>>, vector<512x480xf32>
    %get3A_4 = arith.constant 0 : index
    %get3A_5 = arith.constant 0 : index
    %get3A_6 = arith.constant 0 : index
    %get3A_7 = vector.load %arg2[%get3A_4, %get3A_5, %get3A_6] : memref<1x1x512xi32, #tpu.memory_space<vmem>>, vector<1x1x512xi32>
    %get3A_8 = vector.shape_cast %get3A_7 : vector<1x1x512xi32> to vector<1x512xi32>
    %iota3A = tpu.iota {dimensions = array<i32: 0>} : vector<256x512xi32>
    %eq3A_9 = vector.broadcast %get3A_8 : vector<1x512xi32> to vector<256x512xi32>
    %eq3A_10 = arith.cmpi eq, %iota3A, %eq3A_9 : vector<256x512xi32>
    %convert_element_type3A_11 = arith.extui %eq3A_10 : vector<256x512xi1> to vector<256x512xi32>
    %convert_element_type3A_12 = arith.sitofp %convert_element_type3A_11 : vector<256x512xi32> to vector<256x512xf32>
    %broadcast_in_dim3A = arith.constant 1.000000e+00 : f32
    %broadcast_in_dim3A_13 = vector.broadcast %broadcast_in_dim3A : f32 to vector<512x1xf32>
    %broadcast_in_dim3A_14 = arith.constant 0.000000e+00 : f32
    %broadcast_in_dim3A_15 = vector.broadcast %broadcast_in_dim3A_14 : f32 to vector<512x31xf32>
    %slice3A = vector.extract_strided_slice %get3A_3 {offsets = [0, 0], sizes = [512, 128], strides = [1, 1]} : vector<512x480xf32> to vector<512x128xf32>
    %mul3A = arith.mulf %get3A_3, %get3A_3 : vector<512x480xf32>
    %concatenate3A = tpu.concatenate %broadcast_in_dim3A_13, %slice3A, %mul3A, %broadcast_in_dim3A_15 in 1 : vector<512x1xf32>, vector<512x128xf32>, vector<512x480xf32>, vector<512x31xf32> -> vector<512x640xf32>
    %get3A_16 = arith.constant 0 : index
    %get3A_17 = arith.constant 0 : index
    %get3A_18 = vector.load %arg3[%get3A_16, %get3A_17] : memref<256x640xf32, #tpu.memory_space<vmem>>, vector<256x640xf32>
    %dot_general3A = arith.constant dense<0.000000e+00> : vector<256x640xf32>
    %dot_general3A_19 = tpu.matmul %convert_element_type3A_12, %concatenate3A, %dot_general3A {dimension_numbers = #tpu.dot_dimension_numbers<[1], [0], [0], [1], [0, 0, 1, 1], [], []>, transpose_lhs_hint = false} : vector<256x512xf32>, vector<512x640xf32>, vector<256x640xf32> -> vector<256x640xf32>
    %add3A = arith.addf %get3A_18, %dot_general3A_19 : vector<256x640xf32>
    %swap3A = arith.constant 0 : index
    %swap3A_20 = arith.constant 0 : index
    %swap3A_21 = vector.load %arg3[%swap3A, %swap3A_20] : memref<256x640xf32, #tpu.memory_space<vmem>>, vector<256x640xf32>
    tpu.vector_store %arg3[%swap3A, %swap3A_20], %add3A {strides = array<i32>} : memref<256x640xf32, #tpu.memory_space<vmem>>, vector<256x640xf32>,
    return
  }
  func.func @transform_0(%arg0: i32) -> (i32, i32) {
    %c0_i32 = arith.constant 0 : i32
    %c0_i32_0 = arith.constant 0 : i32
    return %arg0, %c0_i32 : i32, i32
  }
  func.func @transform_1(%arg0: i32) -> (i32, i32, i32) {
    %c0_i32 = arith.constant 0 : i32
    %c0_i32_0 = arith.constant 0 : i32
    %c0_i32_1 = arith.constant 0 : i32
    return %arg0, %c0_i32, %c0_i32_0 : i32, i32, i32
  }
  func.func @transform_2(%arg0: i32) -> (i32, i32) {
    %c0_i32 = arith.constant 0 : i32
    %c0_i32_0 = arith.constant 0 : i32
    %c0_i32_1 = arith.constant 0 : i32
    return %c0_i32, %c0_i32_0 : i32, i32
  }
}

module attributes {stable_mosaic.version = 14 : i64} {
  func.func @_apply_kernel(%arg0: i32, %arg1: memref<256x640xf32, #tpu.memory_space<vmem>>, %arg2: memref<512x480xf32, #tpu.memory_space<vmem>>, %arg3: memref<1x1x512xi32, #tpu.memory_space<vmem>>, %arg4: memref<1x128xf32, #tpu.memory_space<vmem>>, %arg5: memref<1x224xf32, #tpu.memory_space<vmem>>, %arg6: memref<1x128xf32, #tpu.memory_space<vmem>>, %arg7: memref<512x480xf32, #tpu.memory_space<vmem>>, %arg8: memref<256x640xf32, #tpu.memory_space<vmem>>) attributes {dimension_semantics = [#tpu.dimension_semantics<arbitrary>], iteration_bounds = array<i64: 98>, scalar_prefetch = 0 : i64, scratch_operands = 1 : i64, tpu.core_type = #tpu.core_type<tc>, window_params = [{pipeline_mode = #tpu.pipeline_mode<synchronous>, transform_indices = @transform_0, window_bounds = array<i64: 256, 640>}, {transform_indices = @transform_1, window_bounds = array<i64: 512, 480>}, {transform_indices = @transform_2, window_bounds = array<i64: 1, 1, 512>}, {pipeline_mode = #tpu.pipeline_mode<synchronous>, transform_indices = @transform_3, window_bounds = array<i64: 1, 128>}, {pipeline_mode = #tpu.pipeline_mode<synchronous>, transform_indices = @transform_4, window_bounds = array<i64: 1, 224>}, {pipeline_mode = #tpu.pipeline_mode<synchronous>, transform_indices = @transform_5, window_bounds = array<i64: 1, 128>}, {transform_indices = @transform_6, window_bounds = array<i64: 512, 480>}]} {
    %eq3A = arith.constant 0 : i32
    %eq3A_0 = arith.cmpi eq, %arg0, %eq3A : i32
    %convert_element_type3A = arith.extui %eq3A_0 : i1 to i32
    %cond3A = arith.constant 0 : i32
    %cond3A_1 = arith.cmpi ne, %convert_element_type3A, %cond3A : i32
    scf.if %cond3A_1 {
      %get3A_24 = arith.constant 0 : index
      %get3A_25 = arith.constant 0 : index
      %get3A_26 = vector.load %arg1[%get3A_24, %get3A_25] : memref<256x640xf32, #tpu.memory_space<vmem>>, vector<256x640xf32>
      %slice3A_27 = vector.extract_strided_slice %get3A_26 {offsets = [0, 0], sizes = [256, 1], strides = [1, 1]} : vector<256x640xf32> to vector<256x1xf32>
      %max3A = arith.constant 1.000000e+00 : f32
      %max3A_28 = vector.broadcast %max3A : f32 to vector<256x1xf32>
      %max3A_29 = arith.maximumf %slice3A_27, %max3A_28 : vector<256x1xf32>
      %slice3A_30 = vector.extract_strided_slice %get3A_26 {offsets = [0, 1], sizes = [256, 128], strides = [1, 1]} : vector<256x640xf32> to vector<256x128xf32>
      %div3A = vector.broadcast %max3A_29 : vector<256x1xf32> to vector<256x128xf32>
      %div3A_31 = arith.divf %slice3A_30, %div3A : vector<256x128xf32>
      %slice3A_32 = vector.extract_strided_slice %get3A_26 {offsets = [0, 129], sizes = [256, 480], strides = [1, 1]} : vector<256x640xf32> to vector<256x480xf32>
      %div3A_33 = vector.broadcast %max3A_29 : vector<256x1xf32> to vector<256x480xf32>
      %div3A_34 = arith.divf %slice3A_32, %div3A_33 : vector<256x480xf32>
      %iota3A_35 = tpu.iota {dimensions = array<i32: 0>} : vector<480x224xi32>
      %iota3A_36 = tpu.iota {dimensions = array<i32: 1>} : vector<480x224xi32>
      %lt3A = arith.constant 128 : i32
      %lt3A_37 = vector.broadcast %lt3A : i32 to vector<480x224xi32>
      %lt3A_38 = arith.cmpi slt, %iota3A_36, %lt3A_37 : vector<480x224xi32>
      %lt3A_39 = arith.constant 192 : i32
      %lt3A_40 = vector.broadcast %lt3A_39 : i32 to vector<480x224xi32>
      %lt3A_41 = arith.cmpi slt, %iota3A_36, %lt3A_40 : vector<480x224xi32>
      %jit3A = arith.constant 0.333333343 : f32
      %jit3A_42 = arith.constant 2.000000e-01 : f32
      %broadcast_in_dim3A = vector.broadcast %jit3A : f32 to vector<480x224xf32>
      %broadcast_in_dim3A_43 = vector.broadcast %jit3A_42 : f32 to vector<480x224xf32>
      %select_n3A = arith.select %lt3A_41, %broadcast_in_dim3A, %broadcast_in_dim3A_43 : vector<480x224xi1>, vector<480x224xf32>
      %jit3A_44 = arith.constant 1.000000e+00 : f32
      %broadcast_in_dim3A_45 = vector.broadcast %jit3A_44 : f32 to vector<480x224xf32>
      %select_n3A_46 = arith.select %lt3A_38, %broadcast_in_dim3A_45, %select_n3A : vector<480x224xi1>, vector<480x224xf32>
      %lt3A_47 = arith.constant 128 : i32
      %lt3A_48 = vector.broadcast %lt3A_47 : i32 to vector<480x224xi32>
      %lt3A_49 = arith.cmpi slt, %iota3A_35, %lt3A_48 : vector<480x224xi32>
      %lt3A_50 = arith.constant 320 : i32
      %lt3A_51 = vector.broadcast %lt3A_50 : i32 to vector<480x224xi32>
      %lt3A_52 = arith.cmpi slt, %iota3A_35, %lt3A_51 : vector<480x224xi32>
      %sub3A = arith.constant 128 : i32
      %sub3A_53 = vector.broadcast %sub3A : i32 to vector<480x224xi32>
      %sub3A_54 = arith.subi %iota3A_35, %sub3A_53 : vector<480x224xi32>
      %jit3A_55 = arith.constant 3 : i32
      %div3A_56 = vector.broadcast %jit3A_55 : i32 to vector<480x224xi32>
      %div3A_57 = arith.divsi %sub3A_54, %div3A_56 : vector<480x224xi32>
      %sign3A = arith.constant 0 : i32
      %sign3A_58 = vector.broadcast %sign3A : i32 to vector<480x224xi32>
      %sign3A_59 = arith.cmpi sgt, %sub3A_54, %sign3A_58 : vector<480x224xi32>
      %sign3A_60 = arith.extui %sign3A_59 : vector<480x224xi1> to vector<480x224xi32>
      %sign3A_61 = arith.constant 0 : i32
      %sign3A_62 = vector.broadcast %sign3A_61 : i32 to vector<480x224xi32>
      %sign3A_63 = arith.cmpi slt, %sub3A_54, %sign3A_62 : vector<480x224xi32>
      %sign3A_64 = arith.extui %sign3A_63 : vector<480x224xi1> to vector<480x224xi32>
      %sign3A_65 = arith.subi %sign3A_60, %sign3A_64 : vector<480x224xi32>
      %sign3A_66 = arith.constant 0 : i32
      %sign3A_67 = arith.cmpi sgt, %jit3A_55, %sign3A_66 : i32
      %sign3A_68 = arith.extui %sign3A_67 : i1 to i32
      %sign3A_69 = arith.constant 0 : i32
      %sign3A_70 = arith.cmpi slt, %jit3A_55, %sign3A_69 : i32
      %sign3A_71 = arith.extui %sign3A_70 : i1 to i32
      %sign3A_72 = arith.subi %sign3A_68, %sign3A_71 : i32
      %ne3A = vector.broadcast %sign3A_72 : i32 to vector<480x224xi32>
      %ne3A_73 = arith.cmpi ne, %sign3A_65, %ne3A : vector<480x224xi32>
      %rem3A = vector.broadcast %jit3A_55 : i32 to vector<480x224xi32>
      %rem3A_74 = arith.remsi %sub3A_54, %rem3A : vector<480x224xi32>
      %ne3A_75 = arith.constant 0 : i32
      %ne3A_76 = vector.broadcast %ne3A_75 : i32 to vector<480x224xi32>
      %ne3A_77 = arith.cmpi ne, %rem3A_74, %ne3A_76 : vector<480x224xi32>
      %and3A = arith.andi %ne3A_73, %ne3A_77 : vector<480x224xi1>
      %sub3A_78 = arith.constant 1 : i32
      %sub3A_79 = vector.broadcast %sub3A_78 : i32 to vector<480x224xi32>
      %sub3A_80 = arith.subi %div3A_57, %sub3A_79 : vector<480x224xi32>
      %select_n3A_81 = arith.select %and3A, %sub3A_80, %div3A_57 : vector<480x224xi1>, vector<480x224xi32>
      %add3A_82 = arith.constant 128 : i32
      %add3A_83 = vector.broadcast %add3A_82 : i32 to vector<480x224xi32>
      %add3A_84 = arith.addi %add3A_83, %select_n3A_81 : vector<480x224xi32>
      %sub3A_85 = arith.constant 320 : i32
      %sub3A_86 = vector.broadcast %sub3A_85 : i32 to vector<480x224xi32>
      %sub3A_87 = arith.subi %iota3A_35, %sub3A_86 : vector<480x224xi32>
      %jit3A_88 = arith.constant 5 : i32
      %div3A_89 = vector.broadcast %jit3A_88 : i32 to vector<480x224xi32>
      %div3A_90 = arith.divsi %sub3A_87, %div3A_89 : vector<480x224xi32>
      %sign3A_91 = arith.constant 0 : i32
      %sign3A_92 = vector.broadcast %sign3A_91 : i32 to vector<480x224xi32>
      %sign3A_93 = arith.cmpi sgt, %sub3A_87, %sign3A_92 : vector<480x224xi32>
      %sign3A_94 = arith.extui %sign3A_93 : vector<480x224xi1> to vector<480x224xi32>
      %sign3A_95 = arith.constant 0 : i32
      %sign3A_96 = vector.broadcast %sign3A_95 : i32 to vector<480x224xi32>
      %sign3A_97 = arith.cmpi slt, %sub3A_87, %sign3A_96 : vector<480x224xi32>
      %sign3A_98 = arith.extui %sign3A_97 : vector<480x224xi1> to vector<480x224xi32>
      %sign3A_99 = arith.subi %sign3A_94, %sign3A_98 : vector<480x224xi32>
      %sign3A_100 = arith.constant 0 : i32
      %sign3A_101 = arith.cmpi sgt, %jit3A_88, %sign3A_100 : i32
      %sign3A_102 = arith.extui %sign3A_101 : i1 to i32
      %sign3A_103 = arith.constant 0 : i32
      %sign3A_104 = arith.cmpi slt, %jit3A_88, %sign3A_103 : i32
      %sign3A_105 = arith.extui %sign3A_104 : i1 to i32
      %sign3A_106 = arith.subi %sign3A_102, %sign3A_105 : i32
      %ne3A_107 = vector.broadcast %sign3A_106 : i32 to vector<480x224xi32>
      %ne3A_108 = arith.cmpi ne, %sign3A_99, %ne3A_107 : vector<480x224xi32>
      %rem3A_109 = vector.broadcast %jit3A_88 : i32 to vector<480x224xi32>
      %rem3A_110 = arith.remsi %sub3A_87, %rem3A_109 : vector<480x224xi32>
      %ne3A_111 = arith.constant 0 : i32
      %ne3A_112 = vector.broadcast %ne3A_111 : i32 to vector<480x224xi32>
      %ne3A_113 = arith.cmpi ne, %rem3A_110, %ne3A_112 : vector<480x224xi32>
      %and3A_114 = arith.andi %ne3A_108, %ne3A_113 : vector<480x224xi1>
      %sub3A_115 = arith.constant 1 : i32
      %sub3A_116 = vector.broadcast %sub3A_115 : i32 to vector<480x224xi32>
      %sub3A_117 = arith.subi %div3A_90, %sub3A_116 : vector<480x224xi32>
      %select_n3A_118 = arith.select %and3A_114, %sub3A_117, %div3A_90 : vector<480x224xi1>, vector<480x224xi32>
      %add3A_119 = arith.constant 192 : i32
      %add3A_120 = vector.broadcast %add3A_119 : i32 to vector<480x224xi32>
      %add3A_121 = arith.addi %add3A_120, %select_n3A_118 : vector<480x224xi32>
      %select_n3A_122 = arith.select %lt3A_52, %add3A_84, %add3A_121 : vector<480x224xi1>, vector<480x224xi32>
      %select_n3A_123 = arith.select %lt3A_49, %iota3A_35, %select_n3A_122 : vector<480x224xi1>, vector<480x224xi32>
      %eq3A_124 = arith.cmpi eq, %select_n3A_123, %iota3A_36 : vector<480x224xi32>
      %jit3A_125 = arith.constant 0.000000e+00 : f32
      %broadcast_in_dim3A_126 = vector.broadcast %jit3A_125 : f32 to vector<480x224xf32>
      %select_n3A_127 = arith.select %eq3A_124, %select_n3A_46, %broadcast_in_dim3A_126 : vector<480x224xi1>, vector<480x224xf32>
      %dot_general3A_128 = arith.constant dense<0.000000e+00> : vector<256x224xf32>
      %dot_general3A_129 = tpu.matmul %div3A_34, %select_n3A_127, %dot_general3A_128 {dimension_numbers = #tpu.dot_dimension_numbers<[1], [0], [0], [1], [0, 0, 1, 1], [], []>, transpose_lhs_hint = false} : vector<256x480xf32>, vector<480x224xf32>, vector<256x224xf32> -> vector<256x224xf32>
      %get3A_130 = arith.constant 0 : index
      %get3A_131 = arith.constant 0 : index
      %get3A_132 = vector.load %arg4[%get3A_130, %get3A_131] : memref<1x128xf32, #tpu.memory_space<vmem>>, vector<1x128xf32>
      %slice3A_133 = vector.extract_strided_slice %dot_general3A_129 {offsets = [0, 0], sizes = [256, 128], strides = [1, 1]} : vector<256x224xf32> to vector<256x128xf32>
      %mul3A_134 = arith.mulf %div3A_31, %div3A_31 : vector<256x128xf32>
      %mul3A_135 = vector.broadcast %get3A_132 : vector<1x128xf32> to vector<256x128xf32>
      %mul3A_136 = arith.mulf %mul3A_134, %mul3A_135 : vector<256x128xf32>
      %sub3A_137 = arith.constant 2.000000e+00 : f32
      %sub3A_138 = vector.broadcast %sub3A_137 : f32 to vector<1x128xf32>
      %sub3A_139 = arith.subf %sub3A_138, %get3A_132 : vector<1x128xf32>
      %mul3A_140 = vector.broadcast %sub3A_139 : vector<1x128xf32> to vector<256x128xf32>
      %mul3A_141 = arith.mulf %mul3A_136, %mul3A_140 : vector<256x128xf32>
      %sub3A_142 = arith.subf %slice3A_133, %mul3A_141 : vector<256x128xf32>
      %slice3A_143 = vector.extract_strided_slice %dot_general3A_129 {offsets = [0, 128], sizes = [256, 96], strides = [1, 1]} : vector<256x224xf32> to vector<256x96xf32>
      %concatenate3A = tpu.concatenate %sub3A_142, %slice3A_143 in 1 : vector<256x128xf32>, vector<256x96xf32> -> vector<256x224xf32>
      %add3A_144 = arith.constant 9.99999974E-6 : f32
      %add3A_145 = vector.broadcast %add3A_144 : f32 to vector<256x224xf32>
      %add3A_146 = arith.addf %concatenate3A, %add3A_145 : vector<256x224xf32>
      %rsqrt3A = math.rsqrt %add3A_146 : vector<256x224xf32>
      %get3A_147 = arith.constant 0 : index
      %get3A_148 = arith.constant 0 : index
      %get3A_149 = vector.load %arg5[%get3A_147, %get3A_148] : memref<1x224xf32, #tpu.memory_space<vmem>>, vector<1x224xf32>
      %mul3A_150 = vector.broadcast %get3A_149 : vector<1x224xf32> to vector<256x224xf32>
      %mul3A_151 = arith.mulf %rsqrt3A, %mul3A_150 : vector<256x224xf32>
      %iota3A_152 = tpu.iota {dimensions = array<i32: 0>} : vector<224x480xi32>
      %iota3A_153 = tpu.iota {dimensions = array<i32: 1>} : vector<224x480xi32>
      %lt3A_154 = arith.constant 128 : i32
      %lt3A_155 = vector.broadcast %lt3A_154 : i32 to vector<224x480xi32>
      %lt3A_156 = arith.cmpi slt, %iota3A_153, %lt3A_155 : vector<224x480xi32>
      %lt3A_157 = arith.constant 320 : i32
      %lt3A_158 = vector.broadcast %lt3A_157 : i32 to vector<224x480xi32>
      %lt3A_159 = arith.cmpi slt, %iota3A_153, %lt3A_158 : vector<224x480xi32>
      %sub3A_160 = arith.constant 128 : i32
      %sub3A_161 = vector.broadcast %sub3A_160 : i32 to vector<224x480xi32>
      %sub3A_162 = arith.subi %iota3A_153, %sub3A_161 : vector<224x480xi32>
      %jit3A_163 = arith.constant 3 : i32
      %div3A_164 = vector.broadcast %jit3A_163 : i32 to vector<224x480xi32>
      %div3A_165 = arith.divsi %sub3A_162, %div3A_164 : vector<224x480xi32>
      %sign3A_166 = arith.constant 0 : i32
      %sign3A_167 = vector.broadcast %sign3A_166 : i32 to vector<224x480xi32>
      %sign3A_168 = arith.cmpi sgt, %sub3A_162, %sign3A_167 : vector<224x480xi32>
      %sign3A_169 = arith.extui %sign3A_168 : vector<224x480xi1> to vector<224x480xi32>
      %sign3A_170 = arith.constant 0 : i32
      %sign3A_171 = vector.broadcast %sign3A_170 : i32 to vector<224x480xi32>
      %sign3A_172 = arith.cmpi slt, %sub3A_162, %sign3A_171 : vector<224x480xi32>
      %sign3A_173 = arith.extui %sign3A_172 : vector<224x480xi1> to vector<224x480xi32>
      %sign3A_174 = arith.subi %sign3A_169, %sign3A_173 : vector<224x480xi32>
      %sign3A_175 = arith.constant 0 : i32
      %sign3A_176 = arith.cmpi sgt, %jit3A_163, %sign3A_175 : i32
      %sign3A_177 = arith.extui %sign3A_176 : i1 to i32
      %sign3A_178 = arith.constant 0 : i32
      %sign3A_179 = arith.cmpi slt, %jit3A_163, %sign3A_178 : i32
      %sign3A_180 = arith.extui %sign3A_179 : i1 to i32
      %sign3A_181 = arith.subi %sign3A_177, %sign3A_180 : i32
      %ne3A_182 = vector.broadcast %sign3A_181 : i32 to vector<224x480xi32>
      %ne3A_183 = arith.cmpi ne, %sign3A_174, %ne3A_182 : vector<224x480xi32>
      %rem3A_184 = vector.broadcast %jit3A_163 : i32 to vector<224x480xi32>
      %rem3A_185 = arith.remsi %sub3A_162, %rem3A_184 : vector<224x480xi32>
      %ne3A_186 = arith.constant 0 : i32
      %ne3A_187 = vector.broadcast %ne3A_186 : i32 to vector<224x480xi32>
      %ne3A_188 = arith.cmpi ne, %rem3A_185, %ne3A_187 : vector<224x480xi32>
      %and3A_189 = arith.andi %ne3A_183, %ne3A_188 : vector<224x480xi1>
      %sub3A_190 = arith.constant 1 : i32
      %sub3A_191 = vector.broadcast %sub3A_190 : i32 to vector<224x480xi32>
      %sub3A_192 = arith.subi %div3A_165, %sub3A_191 : vector<224x480xi32>
      %select_n3A_193 = arith.select %and3A_189, %sub3A_192, %div3A_165 : vector<224x480xi1>, vector<224x480xi32>
      %add3A_194 = arith.constant 128 : i32
      %add3A_195 = vector.broadcast %add3A_194 : i32 to vector<224x480xi32>
      %add3A_196 = arith.addi %add3A_195, %select_n3A_193 : vector<224x480xi32>
      %sub3A_197 = arith.constant 320 : i32
      %sub3A_198 = vector.broadcast %sub3A_197 : i32 to vector<224x480xi32>
      %sub3A_199 = arith.subi %iota3A_153, %sub3A_198 : vector<224x480xi32>
      %jit3A_200 = arith.constant 5 : i32
      %div3A_201 = vector.broadcast %jit3A_200 : i32 to vector<224x480xi32>
      %div3A_202 = arith.divsi %sub3A_199, %div3A_201 : vector<224x480xi32>
      %sign3A_203 = arith.constant 0 : i32
      %sign3A_204 = vector.broadcast %sign3A_203 : i32 to vector<224x480xi32>
      %sign3A_205 = arith.cmpi sgt, %sub3A_199, %sign3A_204 : vector<224x480xi32>
      %sign3A_206 = arith.extui %sign3A_205 : vector<224x480xi1> to vector<224x480xi32>
      %sign3A_207 = arith.constant 0 : i32
      %sign3A_208 = vector.broadcast %sign3A_207 : i32 to vector<224x480xi32>
      %sign3A_209 = arith.cmpi slt, %sub3A_199, %sign3A_208 : vector<224x480xi32>
      %sign3A_210 = arith.extui %sign3A_209 : vector<224x480xi1> to vector<224x480xi32>
      %sign3A_211 = arith.subi %sign3A_206, %sign3A_210 : vector<224x480xi32>
      %sign3A_212 = arith.constant 0 : i32
      %sign3A_213 = arith.cmpi sgt, %jit3A_200, %sign3A_212 : i32
      %sign3A_214 = arith.extui %sign3A_213 : i1 to i32
      %sign3A_215 = arith.constant 0 : i32
      %sign3A_216 = arith.cmpi slt, %jit3A_200, %sign3A_215 : i32
      %sign3A_217 = arith.extui %sign3A_216 : i1 to i32
      %sign3A_218 = arith.subi %sign3A_214, %sign3A_217 : i32
      %ne3A_219 = vector.broadcast %sign3A_218 : i32 to vector<224x480xi32>
      %ne3A_220 = arith.cmpi ne, %sign3A_211, %ne3A_219 : vector<224x480xi32>
      %rem3A_221 = vector.broadcast %jit3A_200 : i32 to vector<224x480xi32>
      %rem3A_222 = arith.remsi %sub3A_199, %rem3A_221 : vector<224x480xi32>
      %ne3A_223 = arith.constant 0 : i32
      %ne3A_224 = vector.broadcast %ne3A_223 : i32 to vector<224x480xi32>
      %ne3A_225 = arith.cmpi ne, %rem3A_222, %ne3A_224 : vector<224x480xi32>
      %and3A_226 = arith.andi %ne3A_220, %ne3A_225 : vector<224x480xi1>
      %sub3A_227 = arith.constant 1 : i32
      %sub3A_228 = vector.broadcast %sub3A_227 : i32 to vector<224x480xi32>
      %sub3A_229 = arith.subi %div3A_202, %sub3A_228 : vector<224x480xi32>
      %select_n3A_230 = arith.select %and3A_226, %sub3A_229, %div3A_202 : vector<224x480xi1>, vector<224x480xi32>
      %add3A_231 = arith.constant 192 : i32
      %add3A_232 = vector.broadcast %add3A_231 : i32 to vector<224x480xi32>
      %add3A_233 = arith.addi %add3A_232, %select_n3A_230 : vector<224x480xi32>
      %select_n3A_234 = arith.select %lt3A_159, %add3A_196, %add3A_233 : vector<224x480xi1>, vector<224x480xi32>
      %select_n3A_235 = arith.select %lt3A_156, %iota3A_153, %select_n3A_234 : vector<224x480xi1>, vector<224x480xi32>
      %eq3A_236 = arith.cmpi eq, %select_n3A_235, %iota3A_152 : vector<224x480xi32>
      %convert_element_type3A_237 = arith.extui %eq3A_236 : vector<224x480xi1> to vector<224x480xi32>
      %convert_element_type3A_238 = arith.sitofp %convert_element_type3A_237 : vector<224x480xi32> to vector<224x480xf32>
      %dot_general3A_239 = arith.constant dense<0.000000e+00> : vector<256x480xf32>
      %dot_general3A_240 = tpu.matmul %mul3A_151, %convert_element_type3A_238, %dot_general3A_239 {dimension_numbers = #tpu.dot_dimension_numbers<[1], [0], [0], [1], [0, 0, 1, 1], [], []>, transpose_lhs_hint = false} : vector<256x224xf32>, vector<224x480xf32>, vector<256x480xf32> -> vector<256x480xf32>
      %get3A_241 = arith.constant 0 : index
      %get3A_242 = arith.constant 0 : index
      %get3A_243 = vector.load %arg6[%get3A_241, %get3A_242] : memref<1x128xf32, #tpu.memory_space<vmem>>, vector<1x128xf32>
      %mul3A_244 = vector.broadcast %get3A_132 : vector<1x128xf32> to vector<256x128xf32>
      %mul3A_245 = arith.mulf %div3A_31, %mul3A_244 : vector<256x128xf32>
      %slice3A_246 = vector.extract_strided_slice %mul3A_151 {offsets = [0, 0], sizes = [256, 128], strides = [1, 1]} : vector<256x224xf32> to vector<256x128xf32>
      %mul3A_247 = arith.mulf %mul3A_245, %slice3A_246 : vector<256x128xf32>
      %sub3A_248 = vector.broadcast %get3A_243 : vector<1x128xf32> to vector<256x128xf32>
      %sub3A_249 = arith.subf %sub3A_248, %mul3A_247 : vector<256x128xf32>
      %swap3A_250 = arith.constant 0 : index
      %swap3A_251 = arith.constant 0 : index
      %swap3A_252 = vector.load %arg8[%swap3A_250, %swap3A_251] : memref<256x640xf32, #tpu.memory_space<vmem>>, vector<256x480xf32>
      tpu.vector_store %arg8[%swap3A_250, %swap3A_251], %dot_general3A_240 {strides = array<i32>} : memref<256x640xf32, #tpu.memory_space<vmem>>, vector<256x480xf32>,
      %broadcast_in_dim3A_253 = arith.constant 0.000000e+00 : f32
      %broadcast_in_dim3A_254 = vector.broadcast %broadcast_in_dim3A_253 : f32 to vector<256x32xf32>
      %swap3A_255 = arith.constant 0 : index
      %swap3A_256 = arith.constant 480 : index
      %swap3A_257 = vector.load %arg8[%swap3A_255, %swap3A_256] : memref<256x640xf32, #tpu.memory_space<vmem>>, vector<256x32xf32>
      tpu.vector_store %arg8[%swap3A_255, %swap3A_256], %broadcast_in_dim3A_254 {strides = array<i32>} : memref<256x640xf32, #tpu.memory_space<vmem>>, vector<256x32xf32>,
      %swap3A_258 = arith.constant 0 : index
      %swap3A_259 = arith.constant 512 : index
      %swap3A_260 = vector.load %arg8[%swap3A_258, %swap3A_259] : memref<256x640xf32, #tpu.memory_space<vmem>>, vector<256x128xf32>
      tpu.vector_store %arg8[%swap3A_258, %swap3A_259], %sub3A_249 {strides = array<i32>} : memref<256x640xf32, #tpu.memory_space<vmem>>, vector<256x128xf32>,
    } else {
    }
    %get3A = arith.constant 0 : index
    %get3A_2 = arith.constant 0 : index
    %get3A_3 = arith.constant 0 : index
    %get3A_4 = vector.load %arg3[%get3A, %get3A_2, %get3A_3] : memref<1x1x512xi32, #tpu.memory_space<vmem>>, vector<1x1x512xi32>
    %get3A_5 = vector.shape_cast %get3A_4 : vector<1x1x512xi32> to vector<1x512xi32>
    %iota3A = tpu.iota {dimensions = array<i32: 0>} : vector<256x512xi32>
    %eq3A_6 = vector.broadcast %get3A_5 : vector<1x512xi32> to vector<256x512xi32>
    %eq3A_7 = arith.cmpi eq, %iota3A, %eq3A_6 : vector<256x512xi32>
    %convert_element_type3A_8 = arith.extui %eq3A_7 : vector<256x512xi1> to vector<256x512xi32>
    %convert_element_type3A_9 = arith.sitofp %convert_element_type3A_8 : vector<256x512xi32> to vector<256x512xf32>
    %get3A_10 = arith.constant 0 : index
    %get3A_11 = arith.constant 0 : index
    %get3A_12 = vector.load %arg8[%get3A_10, %get3A_11] : memref<256x640xf32, #tpu.memory_space<vmem>>, vector<256x640xf32>
    %dot_general3A = arith.constant dense<0.000000e+00> : vector<512x640xf32>
    %dot_general3A_13 = tpu.matmul %convert_element_type3A_9, %get3A_12, %dot_general3A {dimension_numbers = #tpu.dot_dimension_numbers<[0], [0], [1], [1], [0, 1, 1, 1], [], []>, transpose_lhs_hint = false} : vector<256x512xf32>, vector<256x640xf32>, vector<512x640xf32> -> vector<512x640xf32>
    %get3A_14 = arith.constant 0 : index
    %get3A_15 = arith.constant 0 : index
    %get3A_16 = vector.load %arg2[%get3A_14, %get3A_15] : memref<512x480xf32, #tpu.memory_space<vmem>>, vector<512x480xf32>
    %slice3A = vector.extract_strided_slice %dot_general3A_13 {offsets = [0, 0], sizes = [512, 480], strides = [1, 1]} : vector<512x640xf32> to vector<512x480xf32>
    %mul3A = arith.mulf %get3A_16, %slice3A : vector<512x480xf32>
    %swap3A = arith.constant 0 : index
    %swap3A_17 = arith.constant 0 : index
    %swap3A_18 = vector.load %arg7[%swap3A, %swap3A_17] : memref<512x480xf32, #tpu.memory_space<vmem>>, vector<512x480xf32>
    tpu.vector_store %arg7[%swap3A, %swap3A_17], %mul3A {strides = array<i32>} : memref<512x480xf32, #tpu.memory_space<vmem>>, vector<512x480xf32>,
    %slice3A_19 = vector.extract_strided_slice %mul3A {offsets = [0, 0], sizes = [512, 128], strides = [1, 1]} : vector<512x480xf32> to vector<512x128xf32>
    %slice3A_20 = vector.extract_strided_slice %dot_general3A_13 {offsets = [0, 512], sizes = [512, 128], strides = [1, 1]} : vector<512x640xf32> to vector<512x128xf32>
    %add3A = arith.addf %slice3A_19, %slice3A_20 : vector<512x128xf32>
    %swap3A_21 = arith.constant 0 : index
    %swap3A_22 = arith.constant 0 : index
    %swap3A_23 = vector.load %arg7[%swap3A_21, %swap3A_22] : memref<512x480xf32, #tpu.memory_space<vmem>>, vector<512x128xf32>
    tpu.vector_store %arg7[%swap3A_21, %swap3A_22], %add3A {strides = array<i32>} : memref<512x480xf32, #tpu.memory_space<vmem>>, vector<512x128xf32>,
    return
  }
  func.func @transform_0(%arg0: i32) -> (i32, i32) {
    %c0_i32 = arith.constant 0 : i32
    %c0_i32_0 = arith.constant 0 : i32
    %c0_i32_1 = arith.constant 0 : i32
    return %c0_i32, %c0_i32_0 : i32, i32
  }
  func.func @transform_1(%arg0: i32) -> (i32, i32) {
    %c0_i32 = arith.constant 0 : i32
    %c0_i32_0 = arith.constant 0 : i32
    return %arg0, %c0_i32 : i32, i32
  }
  func.func @transform_2(%arg0: i32) -> (i32, i32, i32) {
    %c0_i32 = arith.constant 0 : i32
    %c0_i32_0 = arith.constant 0 : i32
    %c0_i32_1 = arith.constant 0 : i32
    return %arg0, %c0_i32, %c0_i32_0 : i32, i32, i32
  }
  func.func @transform_3(%arg0: i32) -> (i32, i32) {
    %c0_i32 = arith.constant 0 : i32
    %c0_i32_0 = arith.constant 0 : i32
    %c0_i32_1 = arith.constant 0 : i32
    return %c0_i32, %c0_i32_0 : i32, i32
  }
  func.func @transform_4(%arg0: i32) -> (i32, i32) {
    %c0_i32 = arith.constant 0 : i32
    %c0_i32_0 = arith.constant 0 : i32
    %c0_i32_1 = arith.constant 0 : i32
    return %c0_i32, %c0_i32_0 : i32, i32
  }
  func.func @transform_5(%arg0: i32) -> (i32, i32) {
    %c0_i32 = arith.constant 0 : i32
    %c0_i32_0 = arith.constant 0 : i32
    %c0_i32_1 = arith.constant 0 : i32
    return %c0_i32, %c0_i32_0 : i32, i32
  }
  func.func @transform_6(%arg0: i32) -> (i32, i32) {
    %c0_i32 = arith.constant 0 : i32
    %c0_i32_0 = arith.constant 0 : i32
    return %arg0, %c0_i32 : i32, i32
  }
}

</mosaic_0001>

<sc_bundles>
// kernel: sparse-core-data-format-call.cloned.1.call-start
scs
called_computation_lowered:
.L_overlay_start_0:
0x0: {  	s2 =	sld [smem:$0x3FD9]  }
0x1: {  	s3 =	sld [smem:$0x3FFE];
	_ =	sdelay $0x1  }
0x2: {  	s1 =	srdreg.scid  }
0x3: {  	s0 =	sand.u32 $0x1, s1  }
0x4: {  	s18 =	sshll.u32 s0, $0xA;
	s2 =	sadd.s32 s3, s2  }
0x5: {  	s2 =	sadd.s32 s2, s18  }
0x6: {  	[smem:$0x3FC3] =	sst s2  }
0x7: {  	_ = 	snop  }
0x8: {  	s2 =	sld [smem:$0x3FD0];
	(tm) =	ssettm $0x1  }
0x9: {  	s19 =	sld [smem:$0x3FFB];
	_ =	sdelay $0x3  }
0xa: {  	_ =	strace s19  }
0xb: {  	s3 =	sld [smem:$0x3FFC];
	_ =	sdelay $0x3  }
0xc: {  	_ =	strace s3  }
0xd: {  	s3 =	sld [smem:$0x3FFD];
	_ =	sdelay $0x3  }
0xe: {  	_ =	strace s3  }
0xf: {  	_ =	strace $0x8FFFFFFF  }
0x10: {  	s20 =	sld [smem:$0x3FDB];
	_ =	sdelay $0x1  }
0x11: {  	s4 =	simm.s32 $_scs_section_size  }
0x12: {  	s5 =	simm.s32 $_size__tile_overlayer_lowered;
	s6 =	simm.s32 $_tile_overlayer_lowered  }
0x13: {  	s23 =	simm.s32 $0x1BFF;
	s22 =	sshll.u32 s6, $0x1;
	s3 =	sadd.s32 s4, s20  }
0x14: {  	s7 =	simm.s32 $0x0;
	s21 =	sshll.u32 s5, $0x1;
	s5 =	sadd.s32 s22, s3  }
0x15: {  	[timem:s7], [sflag:s23] =	dma.local [hbm:s5], s21  }
0x16: {  	_ =	swait.ge [sflag:s23], s21  }
0x17: {  	s4 =	ssub.s32 $0x0, s21;
	[sflag:s23] =	ssyncset.done $0x0  }
0x18: {  	[sflag:s23] =	ssyncadd.s32 s4;
	_ =	sdelay $0x1  }
0x19: {  	s24 =	simm.s32 $0x1B8B  }
0x1a: {  	_ =	swait.ge [sflag:s24], $0x1  }
0x1b: {  	[sflag:s24] =	ssyncset.done $0x0  }
0x1c: {  	s26 =	simm.s32 $0x1B8E;
	s25 =	sld [smem:$0x3FFE];
	[sflag:s24] =	ssyncadd.s32 $0xFFFFFFFF  }
0x1d: {  	s27 =	simm.s32 $execute0_lowered;
	[smem:$0x3FD2] =	sst s26  }
0x1e: {  	s5 =	sshll.u32 s27, $0x1;
	_ =	strace $0x80000046;
	[dreg:$0x1] =	wrdreg $0xFFFFFFFF  }
0x1f: {  	s28 =	simm.s32 $_size_execute0_lowered;
	s3 =	sadd.s32 s3, s5;
	[dreg:$0x0] =	wrdreg $0x0  }
0x20: {  	s5 =	sshll.u32 s28, $0x1;
	[dreg:$0x2] =	wrdreg s3  }
0x21: {  	[dreg:$0x3] =	wrdreg s5  }
0x22: {  	[dreg:$0x4] =	wrdreg $0xC0  }
0x23: {  	_ =	task [dreg:s7], $0x5FFFF  }
0x24: {  	[dreg:$0x1] =	wrdreg $0xFFFFFFFF  }
0x25: {  	[dreg:$0x0] =	wrdreg $0x60  }
0x26: {  	[dreg:$0x2] =	wrdreg s25  }
0x27: {  	[dreg:$0x3] =	wrdreg s2  }
0x28: {  	[dreg:$0x4] =	wrdreg $0x9  }
0x29: {  	_ =	task.clear_ibuf [dreg:s7], $0x5FFFF;
	_ =	strace $0x90000046  }
0x2a: {  	s29 =	simm.s32 $0x9;
	_ =	strace $0x80000048  }
0x2b: {  	_ =	swait.ge [sflag:s29], $0x1  }
0x2c: {  	[sflag:s29] =	ssyncadd.s32 $0xFFFFFFFF  }
0x2d: {  	_ =	strace $0x90000048  }
0x2e: {  	_ =	sfence  }
0x2f: {  	s30 =	sld [smem:$0x0];
	_ =	sdelay $0x2  }
0x30: {  	s31 =	sshll.u32 s1, $0xD;
	s1 =	sshrl.u32 s1, $0x2  }
0x31: {  	s3 =	sand.u32 $0x4000, s31;
	s1 =	sadd.s32 s1, s30  }
0x32: {  	s0 =	sor.u32 s3, s0;
	s1 =	sshll.u32 s1, $0x11  }
0x33: {  	s0 =	sor.u32 s1, s0  }
0x34: {  	s0 =	sadd.s32 $0x8F2B, s0  }
0x35: {  	[sflag:s0] =	ssyncadd.remote.s32 $0x1  }
0x36: {  	_ =	sfence.sel $0xFFFF  }
0x37: {  	[dreg:$0x0] =	wrdreg $0xFFFFFFFF;
	(pc) =	sbr.abs _section_cstart, $3  }
0x38: {  	[dreg:$0x1] =	wrdreg $0xFFFFFFFF  }
0x39: {  	_ =	task.clear_ibuf [dreg:s7], $0x2FFFF;
	_ =	strace $0x9FFFFFFF  }
0x3a: {  	(tm) =	ssettm $0x7FFFFFFF  }
0x3b: {  	_ =	shalt  }
tec
execute0_lowered:
.L_overlay_start_1:
0x0: {  	(tag) =	ssettag $0x1  }
0x1: {  	s0 =	rddreg [dreg:$0x0];
	s1 =	srdreg.scid;
	_ =	strace $0x80000047  }
0x2: {  	s2 =	stileid.u32;
	s29 =	simm.s32 $0x1;
	s31 =	simm.s32 $0x2  }
0x3: {  	s15 =	simm.s32 $0x0;
	s7 =	simm.s32 $0x0;
	s1 =	sshll.u32 s1, $0x4  }
0x4: {  	s0 =	sadd.s32 $0xC00, s0;
	s27 =	sshll.u32 s2, $0x7;
	s1 =	sand.u32 $0x10, s1  }
0x5: {  	[dreg:$0x3] =	wrdreg s0;
	s12 =	sand.u32 $0x380, s27;
	s26 =	sor.u32 s2, s1  }
0x6: {  	s6 =	simm.s32 $0x0;
	[dreg:$0x4] =	wrdreg s12;
	s28 =	sshll.u32 s26, $0x4  }
.Ltmp0:
0x7: {  	s0 =	sshll.u32 s26, $0x7;
	s1 =	sand.u32 $0x180, s28;
	(pc) =	sbr.rel .LBB1_1-.Ltmp0, $4  }
0x8: {  	s30 =	ssub.s32 $0xC300, s12;
	s0 =	sand.u32 $0xC00, s0;
	[dreg:$0x5] =	wrdreg s1  }
0x9: {  	s13 =	simm.s32 $0x0;
	s1 =	sshrl.u32 s30, $0xA;
	[dreg:$0x7] =	wrdreg s0  }
0xa: {  	[sflag:s29] =	ssyncpa.u1 $0x0;
	[dreg:$0x6] =	wrdreg s1;
	s5 =	sadd.s32 $0x2, s1  }
0xb: {  	s14 =	simm.s32 $0x0;
	[sflag:s31] =	ssyncpa.u1 $0x0;
	[dreg:$0x8] =	wrdreg s5  }
.LBB1_12:
0xc: {  	s6 =	rddreg [dreg:$0x9]  }
0xd: {  	s0 =	sshrl.u32 s6, $0x3  }
0xe: {  	s1 =	sshll.u32 s13, $0x3;
	s0 =	smul.u32 $0x61C00, s0  }
0xf: {  	s2 =	sand.u32 $0x7F, s13;
	s4 =	rddreg [dreg:$0xb];
	s1 =	sand.u32 $0xFFFFFC00, s1  }
0x10: {  	p0 =	sgt.s32 s13, $0xC300;
	s30 =	rddreg [dreg:$0x1];
	s0 =	sadd.s32 s1, s0  }
0x11: {  	s1 =	sor.u32 s2, s0;
	s0 =	smulhi.u32 $0xA79C7B17, s0;
	s2 =	smov.u32 s13  }
0x12: {  	s31 =	simm.s32 $0x61C00;
	s3 =	smulhi.u32 $0xA79C7B17, s1;
	s2 =	simm.s32 @!p0 $0xC300  }
0x13: {  	p0 =	sgt.s32 s6, $0x160;
	s0 =	sshrl.u32 s0, $0xF;
	s2 =	sadd.s32 s4, s2  }
0x14: {  	s3 =	sshrl.u32 s3, $0xF;
	s29 =	smulhi.u32 $0x888889, s0;
	s5 =	sadd.s32 $0xFFFF3D00, s2  }
0x15: {  	s3 =	smul.u32 $0xC380, s3;
	p1 =	sgt.s32 s5, $0x7F;
	s5 =	smov.u32 s6  }
0x16: {  	s2 =	ssub.s32 $0xC380, s2;
	s5 =	simm.s32 @!p0 $0x160;
	s4 =	smul.u32 $0x1E0, s29  }
0x17: {  	s7 =	rddreg [dreg:$0xa];
	s2 =	simm.s32 @p1 $0x0;
	s5 =	ssub.s32 $0x1E0, s5  }
0x18: {  	s1 =	ssub.s32 s1, s3;
	s0 =	ssub.s32 s0, s4;
	s2 =	smul.u32 s5, s2  }
0x19: {  	s3 =	sshrl.u32 s1, $0x3;
	s1 =	sand.u32 $0x7, s1;
	s0 =	smul.u32 $0x1870, s0  }
0x1a: {  	s5 =	rddreg [dreg:$0x8];
	s3 =	sadd.s32 s30, s3;
	s1 =	sshll.u32 s1, $0x12  }
0x1b: {  	s2 =	sand.u32 $0x3FFFFFE0, s2;
	s1 =	sor.u32 $0x400, s1;
	s0 =	sadd.s32 s0, s3  }
0x1c: {  	[hbm4b:s0+s1] =	stream.strided.scatter [tilespmem:s17], [sflag:$0x2], s2, s31, s1, $0x20;
	[tilespmem:$0x10100] =	vst v63  }
.LBB1_13:
0x1d: {  	p0 =	slt.u32 s14, $0x2  }
0x1e: {  	p1 =	sgt.s32 @!p0 s7, $0xC300  }
0x1f: {  	s0 =	smov.u32 s7;
	s1 =	sshra.s32 @!p0 s7, $0x1F;
	p1 =	por !p1, p0  }
0x20: {  	s1 =	sand.u32 @!p0 s1, s7;
	s0 =	simm.s32 @p1 $0xC300  }
0x21: {  	s0 =	ssub.s32 @!p0 s0, s1  }
0x22: {  	p1 =	sgt.s32 @!p0 s15, $0x160;
	s1 =	sadd.s32 @!p0 $0xFFFF3D00, s0  }
0x23: {  	p1 =	por !p1, p0;
	p2 =	sgt.s32 @!p0 s1, $0x7F  }
0x24: {  	s15 =	simm.s32 @p1 $0x160;
	s0 =	ssub.s32 @!p0 $0xC380, s0;
	p1 =	por !p2, p0  }
0x25: {  	s1 =	ssub.s32 @!p0 $0x1E0, s15;
	s0 =	simm.s32 @!p1 $0x0  }
0x26: {  	s0 =	smul.u32 @!p0 s1, s0;
	_ =	sdelay $0x1  }
0x27: {  	s1 =	simm.s32 @!p0 $0x2;
	s0 =	sand.u32 @!p0 $0x3FFFFFFF, s0  }
0x28: {  	s2 =	sadd.s32 $0x400, s12;
	_ =	swait.ge @!p0 [sflag:s1], s0  }
0x29: {  	p1 =	sgt.s32 s2, $0xC34F;
	s3 =	rddreg [dreg:$0x4]  }
0x2a: {  	s2 =	smov.u32 @p1 s3;
	p1 =	sne.s32 s14, s5  }
.Ltmp1:
0x2b: {  	_ = 	snop;
	(pc) =	sbr.rel @!p1 .LBB1_14-.Ltmp1, $4  }
0x2c: {  	s31 =	sadd.s32 $0x1, s14  }
0x2d: {  	s7 =	smov.u32 s13;
	s13 =	smov.u32 s12;
	s15 =	smov.u32 s6  }
0x2e: {  	s0 =	ssub.s32 @!p0 $0x0, s0;
	[sflag:s1] =	ssyncset.done @!p0 $0x0;
	s6 =	rddreg [dreg:$0x5]  }
0x2f: {  	[sflag:s1] =	ssyncadd.s32 @!p0 s0;
	s14 =	smov.u32 s31;
	s12 =	smov.u32 s2  }
.LBB1_1:
0x30: {  	s0 =	rddreg [dreg:$0x6]  }
0x31: {  	p0 =	sgt.u32 s14, s0  }
0x32: {  	s0 =	sshll.u32 @!p0 s12, $0x9  }
0x33: {  	s2 =	rddreg [dreg:$0x7];
	s1 =	sshll.u32 @!p0 s12, $0x7;
	s0 =	sand.u32 @!p0 $0xFFFFF000, s0  }
0x34: {  	s1 =	sand.u32 @!p0 $0x200, s1;
	s0 =	sor.u32 @!p0 s2, s0  }
0x35: {  	p1 =	sgt.s32 @!p0 s12, $0xC2D0;
	s3 =	sshra.s32 @!p0 s12, $0x1F;
	s0 =	sor.u32 @!p0 s1, s0  }
0x36: {  	p1 =	por !p1, p0;
	s2 =	smov.u32 s12;
	s0 =	sshrl.u32 @!p0 s0, $0x9  }
0x37: {  	s3 =	sand.u32 @!p0 s3, s12;
	s2 =	simm.s32 @p1 $0xC2D0;
	s1 =	smulhi.u32 @!p0 $0xA7C5AD, s0  }
0x38: {  	s2 =	ssub.s32 @!p0 s2, s3  }
0x39: {  	s4 =	sxor.u32 @!p0 $0xFFFFFFFF, s14;
	s2 =	sadd.s32 @!p0 $0xFFFF3D30, s2;
	s1 =	sshrl.u32 @!p0 s1, $0x7  }
0x3a: {  	s3 =	sshll.u32 @!p0 s4, $0xE;
	p1 =	sgt.s32 @!p0 s2, $0x7F;
	s1 =	smul.u32 @!p0 $0xC350, s1  }
0x3b: {  	s4 =	rddreg [dreg:$0x3];
	s3 =	sand.u32 @!p0 $0x4000, s3;
	p1 =	por !p1, p0  }
0x3c: {  	s0 =	ssub.s32 @!p0 s0, s1;
	s1 =	sshll.u32 @!p0 s2, $0x7;
	s2 =	sshll.u32 @!p0 s12, $0x4  }
0x3d: {  	s1 =	ssub.s32 @!p0 $0x4000, s1;
	s2 =	sand.u32 @!p0 $0x30, s2;
	s0 =	sshll.u32 @!p0 s0, $0x6  }
0x3e: {  	s1 =	sand.u32 @!p0 $0x3FFFFF80, s1;
	s2 =	sadd.s32 @!p0 s4, s2;
	s4 =	simm.s32 @!p0 $0x1000  }
0x3f: {  	s1 =	simm.s32 @!p1 $0x0;
	s0 =	sadd.s32 @!p0 s0, s2;
	s2 =	simm.s32 @!p0 $0x400  }
0x40: {  	[tilespmem:s3], [sflag:$0x1] =	stream.strided.gather @!p0 [hbm4b:s0+s2], s1, s4, s2, $0x38;
	[tilespmem:$0x10100] =	vst v63  }
0x41: {  	p0 =	seq.s32 s14, $0x0  }
0x42: {  	p1 =	sge.u32 @!p0 s14, s5  }
0x43: {  	p0 =	por p0, p1  }
.Ltmp2:
0x44: {  	_ = 	snop;
	(pc) =	sbr.rel @p0 .LBB1_13-.Ltmp2, $1  }
0x45: {  	_ =	sdelay $0x3  }
0x46: {  	s0 =	ssub.s32 $0x0, s13  }
0x47: {  	s1 =	sshra.s32 s13, $0x1F;
	p0 =	sgt.s32 s13, $0xC2D0;
	s2 =	smov.u32 s13  }
0x48: {  	s0 =	sand.u32 s0, s1;
	s2 =	simm.s32 @!p0 $0xC2D0  }
0x49: {  	[dreg:$0xb] =	wrdreg s0;
	s0 =	sadd.s32 s0, s2  }
0x4a: {  	s2 =	sadd.s32 $0x80, s13;
	s0 =	sadd.s32 $0xFFFF3D30, s0  }
0x4b: {  	p1 =	slt.s32 s2, $0xC350;
	s31 =	sshll.u32 s0, $0x7  }
0x4c: {  	s2 =	simm.s32 @!p1 $0xC350;
	s1 =	ssub.s32 $0x4000, s31  }
0x4d: {  	p0 =	sgt.s32 s0, $0x7F;
	s19 =	ssub.s32 s2, s13;
	s1 =	sand.u32 $0x3FFFFF80, s1  }
0x4e: {  	s1 =	simm.s32 @p0 $0x0;
	p0 =	slt.s32 s19, $0x1  }
.Ltmp3:
0x4f: {  	[dreg:$0xa] =	wrdreg s7;
	(pc) =	sbr.rel @p0 .LBB1_12-.Ltmp3, $4  }
0x50: {  	[dreg:$0x9] =	wrdreg s6;
	s4 =	simm.s32 $0x1;
	s0 =	sand.u32 $0x1, s14  }
0x51: {  	s3 =	smul.u32 $0x4080, s0;
	_ =	swait.ge [sflag:s4], s1  }
0x52: {  	s1 =	ssub.s32 $0x0, s1;
	[sflag:s4] =	ssyncset.done $0x0  }
0x53: {  	s17 =	sor.u32 $0x8000, s3;
	[sflag:s4] =	ssyncadd.s32 s1  }
0x54: {  	s2 =	rddreg [dreg:$0x9]  }
0x55: {  	p0 =	slt.s32 s2, $0x160;
	s1 =	smov.u32 s2  }
.Ltmp4:
0x56: {  	s1 =	simm.s32 @!p0 $0x160;
	(pc) =	sbr.rel .LBB1_4-.Ltmp4, $4  }
0x57: {  	s1 =	ssub.s32 s1, s2  }
0x58: {  	s22 =	sshll.u32 s0, $0xE;
	s24 =	simm.s32 $0x0;
	s20 =	sadd.s32 $0x80, s1  }
0x59: {  	s25 =	simm.s32 $0x400;
	s21 =	sand.u32 $0xFFFFFF00, s20;
	s31 =	sshll.u32 s20, $0x3  }
0x5a: {  	p0 =	slt.s32 s1, $0x80;
	s23 =	sand.u32 $0xFFFFF800, s31;
	p1 =	seq.s32 s21, s20  }
.LBB1_11:
0x5b: {  	s24 =	sadd.s32 $0x1, s24  }
0x5c: {  	p2 =	sne.s32 s24, s19  }
.Ltmp5:
0x5d: {  	_ = 	snop;
	(pc) =	sbr.rel @!p2 .LBB1_12-.Ltmp5, $2  }
0x5e: {  	_ =	sdelay $0x2  }
0x5f: {  	s25 =	sadd.s32 $0x80, s25  }
.LBB1_4:
.Ltmp6:
0x60: {  	(pc) =	sbr.rel @p0 .LBB1_8-.Ltmp6, $2  }
0x61: {  	_ =	sdelay $0x2  }
0x62: {  	s26 =	sshll.u32 s24, $0x7;
	s27 =	sand.u32 $0x7F, s24  }
0x63: {  	s1 =	sshll.u32 s24, $0x3  }
0x64: {  	s5 =	sand.u32 $0x380, s26;
	s3 =	sshrl.u32 s1, $0x7  }
0x65: {  	s2 =	sadd.s32 $0x800, s1;
	s6 =	sadd.s32 $0x1000, s1;
	s9 =	sadd.s32 s5, s22  }
0x66: {  	s18 =	sadd.s32 $0x1800, s1;
	s10 =	sadd.s32 $0x2800, s1;
	s0 =	sand.u32 $0x78, s3  }
0x67: {  	s2 =	sshrl.u32 s2, $0x7;
	s16 =	sshrl.u32 s6, $0x7;
	s6 =	sshrl.u32 s18, $0x7  }
0x68: {  	s11 =	sshrl.u32 s10, $0x7;
	s18 =	sadd.s32 $0x3000, s1;
	s1 =	sadd.s32 $0x3800, s1  }
0x69: {  	s10 =	sadd.s32 $0x10, s3;
	s4 =	smul.u32 $0x204, s0;
	s2 =	sand.u32 $0x78, s2  }
0x6a: {  	v0 =	vmov s9;
	s9 =	sand.u32 $0x3C00, s25;
	s5 =	sand.u32 $0x78, s16;
	s2 =	smul.u32 $0x204, s2  }
0x6b: {  	s7 =	sand.u32 $0x78, s6;
	s0 =	sxor.u32 $0x40, s0;
	s5 =	smul.u32 $0x204, s5  }
0x6c: {  	s6 =	sshrl.u32 s18, $0x7;
	s0 =	smul.u32 $0x204, s0;
	s4 =	sshrl.u32 s4, $0x2  }
0x6d: {  	s18 =	sadd.s32 $0x30, s3;
	s4 =	sadd.s32 s4, s17;
	s2 =	sshrl.u32 s2, $0x2  }
0x6e: {  	s8 =	sshrl.u32 s5, $0x2;
	s0 =	sshrl.u32 s0, $0x2;
	s5 =	sand.u32 $0x78, s10  }
0x6f: {  	s2 =	sadd.s32 s2, s17;
	s28 =	sadd.s32 s27, s4;
	s4 =	sadd.s32 s8, s17  }
0x70: {  	s16 =	sadd.s32 s0, s17;
	s5 =	smul.u32 $0x204, s5;
	s29 =	sadd.s32 s27, s2  }
0x71: {  	s2 =	smul.u32 $0x204, s7;
	s30 =	sadd.s32 s27, s4;
	s4 =	sand.u32 $0x78, s11  }
0x72: {  	s7 =	sshrl.u32 s1, $0x7;
	s11 =	sadd.s32 $0x20, s3;
	s4 =	smul.u32 $0x204, s4  }
0x73: {  	s8 =	sand.u32 $0x78, s7;
	s5 =	sshrl.u32 s5, $0x2;
	s2 =	sshrl.u32 s2, $0x2  }
0x74: {  	s7 =	sadd.s32 $0x50, s3;
	s2 =	sadd.s32 s2, s17;
	s4 =	sshrl.u32 s4, $0x2  }
0x75: {  	s0 =	sadd.s32 s27, s2;
	s2 =	sand.u32 $0x78, s6;
	s4 =	sadd.s32 s4, s17  }
0x76: {  	s6 =	sand.u32 $0x78, s11;
	s1 =	sadd.s32 s27, s4;
	s4 =	smul.u32 $0x204, s8  }
0x77: {  	v1 =	vld.idx.msk [tilespmem:v0+s9+$0x0 ss:$0x1], $0xffff;
	s6 =	smul.u32 $0x204, s6;
	s8 =	sadd.s32 $0x60, s3;
	s3 =	sadd.s32 $0x70, s3  }
0x78: {  	s31 =	sadd.s32 s27, s16;
	s16 =	sadd.s32 s5, s17;
	s3 =	sand.u32 $0x78, s3  }
0x79: {  	s5 =	sand.u32 $0x78, s18;
	s6 =	sshrl.u32 s6, $0x2;
	s18 =	smul.u32 $0x204, s3  }
0x7a: {  	s11 =	sadd.s32 s6, s17  }
0x7b: {  	s3 =	sadd.s32 s27, s11;
	s11 =	sshrl.u32 s18, $0x2;
	s18 =	sadd.s32 $0xFFFFFC00, s25  }
0x7c: {  	[tilespmem:s28+$0x0 ss:$0x81] =	vst.msk $0xffff, v1;
	v1 =	vld.idx.msk [tilespmem:v0+s9+$0x20 ss:$0x1], $0xffff;
	s6 =	sadd.s32 s27, s16;
	s16 =	sadd.s32 s11, s17;
	s11 =	sand.u32 $0x3C00, s18  }
0x7d: {  	v2 =	vld.idx.msk [tilespmem:v0+s11+$0x70 ss:$0x1], $0xffff  }
0x7e: {  	v3 =	vld.idx.msk [tilespmem:v0+s11+$0x0 ss:$0x1], $0xffff  }
0x7f: {  	s4 =	sshrl.u32 s4, $0x2;
	v4 =	vld.idx.msk [tilespmem:v0+s11+$0x10 ss:$0x1], $0xffff  }
0x80: {  	s4 =	sadd.s32 s4, s17;
	v5 =	vld.idx.msk [tilespmem:v0+s11+$0x20 ss:$0x1], $0xffff  }
0x81: {  	s7 =	sand.u32 $0x78, s7;
	s5 =	smul.u32 $0x204, s5;
	s10 =	sadd.s32 s27, s4;
	v6 =	vld.idx.msk [tilespmem:v0+s11+$0x30 ss:$0x1], $0xffff  }
0x82: {  	s7 =	smul.u32 $0x204, s7;
	v7 =	vld.idx.msk [tilespmem:v0+s11+$0x40 ss:$0x1], $0xffff;
	[tilespmem:s10+$0x0 ss:$0x81] =	vst.msk $0xffff, v2  }
0x83: {  	s2 =	smul.u32 $0x204, s2;
	s8 =	sand.u32 $0x78, s8;
	v8 =	vld.idx.msk [tilespmem:v0+s11+$0x50 ss:$0x1], $0xffff;
	[tilespmem:s28+$0x0 ss:$0x81] =	vst.msk $0xffff, v3  }
0x84: {  	p2 =	sgt.s32 s21, $0x100;
	s5 =	sshrl.u32 s5, $0x2;
	s8 =	smul.u32 $0x204, s8;
	v9 =	vld.idx.msk [tilespmem:v0+s11+$0x60 ss:$0x1], $0xffff;
	[tilespmem:s29+$0x0 ss:$0x81] =	vst.msk $0xffff, v4  }
.Ltmp7:
0x85: {  	s5 =	sadd.s32 s5, s17;
	s2 =	sshrl.u32 s2, $0x2;
	v4 =	vld.idx.msk [tilespmem:v0+s9+$0x10 ss:$0x1], $0xffff;
	[tilespmem:s30+$0x0 ss:$0x81] =	vst.msk $0xffff, v5;
	(pc) =	sbr.rel @!p2 .LBB1_7-.Ltmp7, $4  }
0x86: {  	s7 =	sshrl.u32 s7, $0x2;
	s5 =	sadd.s32 s27, s5;
	s2 =	sadd.s32 s2, s17;
	[tilespmem:s0+$0x0 ss:$0x81] =	vst.msk $0xffff, v6;
	v2 =	vld.idx.msk [tilespmem:v0+s9+$0x30 ss:$0x1], $0xffff  }
0x87: {  	s2 =	sadd.s32 s27, s2;
	s8 =	sshrl.u32 s8, $0x2;
	s4 =	sadd.s32 s7, s17;
	[tilespmem:s31+$0x0 ss:$0x81] =	vst.msk $0xffff, v7;
	v3 =	vld.idx.msk [tilespmem:v0+s9+$0x40 ss:$0x1], $0xffff  }
0x88: {  	s7 =	sadd.s32 s8, s17;
	s8 =	sadd.s32 s27, s4;
	s18 =	simm.s32 $0x100;
	[tilespmem:s1+$0x0 ss:$0x81] =	vst.msk $0xffff, v8;
	v5 =	vld.idx.msk [tilespmem:v0+s9+$0x50 ss:$0x1], $0xffff  }
0x89: {  	s7 =	sadd.s32 s27, s7;
	s4 =	sadd.s32 s27, s16;
	s11 =	sadd.s32 $0x800, s25;
	[tilespmem:s2+$0x0 ss:$0x81] =	vst.msk $0xffff, v9;
	v6 =	vld.idx.msk [tilespmem:v0+s9+$0x60 ss:$0x1], $0xffff  }
.LBB1_6:
0x8a: {  	s16 =	sadd.s32 $0xFFFFFC00, s11;
	s18 =	sadd.s32 $0x100, s18;
	[tilespmem:s6+$0x0 ss:$0x81] =	vst.msk $0xffff, v4;
	v4 =	vld.idx.msk [tilespmem:v0+s9+$0x70 ss:$0x1], $0xffff;
	s9 =	sand.u32 $0x3C00, s11  }
0x8b: {  	s16 =	sand.u32 $0x3C00, s16;
	v7 =	vld.idx.msk [tilespmem:v0+s9+$0x0 ss:$0x1], $0xffff;
	p2 =	slt.s32 s18, s21;
	[tilespmem:s3+$0x0 ss:$0x81] =	vst.msk $0xffff, v1  }
0x8c: {  	v1 =	vld.idx.msk [tilespmem:v0+s16+$0x70 ss:$0x1], $0xffff;
	[tilespmem:s5+$0x0 ss:$0x81] =	vst.msk $0xffff, v2  }
0x8d: {  	v2 =	vld.idx.msk [tilespmem:v0+s16+$0x0 ss:$0x1], $0xffff;
	[tilespmem:s31+$0x0 ss:$0x81] =	vst.msk $0xffff, v3  }
0x8e: {  	v3 =	vld.idx.msk [tilespmem:v0+s16+$0x10 ss:$0x1], $0xffff;
	[tilespmem:s8+$0x0 ss:$0x81] =	vst.msk $0xffff, v5  }
0x8f: {  	v5 =	vld.idx.msk [tilespmem:v0+s16+$0x20 ss:$0x1], $0xffff;
	[tilespmem:s7+$0x0 ss:$0x81] =	vst.msk $0xffff, v6  }
0x90: {  	v6 =	vld.idx.msk [tilespmem:v0+s16+$0x30 ss:$0x1], $0xffff;
	[tilespmem:s4+$0x0 ss:$0x81] =	vst.msk $0xffff, v4  }
0x91: {  	v8 =	vld.idx.msk [tilespmem:v0+s16+$0x40 ss:$0x1], $0xffff;
	[tilespmem:s28+$0x0 ss:$0x81] =	vst.msk $0xffff, v7  }
0x92: {  	v7 =	vld.idx.msk [tilespmem:v0+s16+$0x50 ss:$0x1], $0xffff;
	[tilespmem:s10+$0x0 ss:$0x81] =	vst.msk $0xffff, v1  }
0x93: {  	[tilespmem:s28+$0x0 ss:$0x81] =	vst.msk $0xffff, v2;
	v9 =	vld.idx.msk [tilespmem:v0+s16+$0x60 ss:$0x1], $0xffff  }
0x94: {  	[tilespmem:s29+$0x0 ss:$0x81] =	vst.msk $0xffff, v3;
	v4 =	vld.idx.msk [tilespmem:v0+s9+$0x10 ss:$0x1], $0xffff  }
.Ltmp8:
0x95: {  	[tilespmem:s30+$0x0 ss:$0x81] =	vst.msk $0xffff, v5;
	v1 =	vld.idx.msk [tilespmem:v0+s9+$0x20 ss:$0x1], $0xffff;
	(pc) =	sbr.rel @p2 .LBB1_6-.Ltmp8, $4  }
0x96: {  	[tilespmem:s0+$0x0 ss:$0x81] =	vst.msk $0xffff, v6;
	v2 =	vld.idx.msk [tilespmem:v0+s9+$0x30 ss:$0x1], $0xffff  }
0x97: {  	[tilespmem:s31+$0x0 ss:$0x81] =	vst.msk $0xffff, v8;
	v3 =	vld.idx.msk [tilespmem:v0+s9+$0x40 ss:$0x1], $0xffff  }
0x98: {  	[tilespmem:s1+$0x0 ss:$0x81] =	vst.msk $0xffff, v7;
	v5 =	vld.idx.msk [tilespmem:v0+s9+$0x50 ss:$0x1], $0xffff  }
0x99: {  	s11 =	sadd.s32 $0x800, s11;
	[tilespmem:s2+$0x0 ss:$0x81] =	vst.msk $0xffff, v9;
	v6 =	vld.idx.msk [tilespmem:v0+s9+$0x60 ss:$0x1], $0xffff  }
.LBB1_7:
0x9a: {  	_ =	sdelay $0x2  }
0x9b: {  	[tilespmem:s6+$0x0 ss:$0x81] =	vst.msk $0xffff, v4  }
0x9c: {  	v0 =	vld.idx.msk [tilespmem:v0+s9+$0x70 ss:$0x1], $0xffff;
	[tilespmem:s3+$0x0 ss:$0x81] =	vst.msk $0xffff, v1  }
0x9d: {  	[tilespmem:s5+$0x0 ss:$0x81] =	vst.msk $0xffff, v2  }
0x9e: {  	[tilespmem:s31+$0x0 ss:$0x81] =	vst.msk $0xffff, v3  }
0x9f: {  	[tilespmem:s8+$0x0 ss:$0x81] =	vst.msk $0xffff, v5  }
0xa0: {  	[tilespmem:s7+$0x0 ss:$0x81] =	vst.msk $0xffff, v6  }
0xa1: {  	[tilespmem:s4+$0x0 ss:$0x81] =	vst.msk $0xffff, v0  }
.LBB1_8:
.Ltmp9:
0xa2: {  	(pc) =	sbr.rel @p1 .LBB1_11-.Ltmp9, $1  }
0xa3: {  	_ =	sdelay $0x3  }
0xa4: {  	s1 =	sand.u32 $0x380, s26;
	s0 =	sshrl.u32 s24, $0x4;
	s2 =	sadd.s32 s27, s17  }
0xa5: {  	s3 =	smov.u32 s23;
	s4 =	smov.u32 s21;
	s1 =	sadd.s32 s1, s22  }
.LBB1_10:
0xa6: {  	s5 =	sand.u32 $0x3C00, s3  }
0xa7: {  	s5 =	sadd.s32 s26, s5  }
0xa8: {  	s5 =	sand.u32 $0x3C00, s5  }
0xa9: {  	s6 =	sand.u32 $0x70, s4;
	s30 =	sadd.s32 s4, s0;
	s5 =	sadd.s32 s5, s1  }
0xaa: {  	s4 =	sadd.s32 $0x10, s4;
	s31 =	sand.u32 $0x78, s30;
	s5 =	sadd.s32 s6, s5  }
0xab: {  	p2 =	slt.s32 s4, s20;
	v0 =	vld [tilespmem:s5+$0x0];
	s5 =	smul.u32 $0x204, s31  }
.Ltmp10:
0xac: {  	_ = 	snop;
	(pc) =	sbr.rel @p2 .LBB1_10-.Ltmp10, $4  }
0xad: {  	_ = 	snop  }
0xae: {  	s5 =	sshrl.u32 s5, $0x2  }
0xaf: {  	s5 =	sadd.s32 s5, s2  }
0xb0: {  	s3 =	sadd.s32 $0x80, s3;
	[tilespmem:s5+$0x0 ss:$0x81] =	vst.msk $0xffff, v0  }
.Ltmp11:
0xb1: {  	_ = 	snop;
	(pc) =	sbr.rel .LBB1_11-.Ltmp11, $1  }
0xb2: {  	_ =	sdelay $0x3  }
.LBB1_14:
0xb3: {  	_ =	sfence.sel $0x180000  }
0xb4: {  	s0 =	simm.s32 $0x1;
	[bflag:$0x0] =	sbarrier.arrive $0xFFFF  }
0xb5: {  	s30 =	simm.s32 $0x2;
	[sflag:s0] =	ssyncpa.u1 $0x1  }
0xb6: {  	[sflag:s30] =	ssyncpa.u1 $0x1  }
0xb7: {  	_ =	strace $0x90000047  }
0xb8: {  	s31 =	stileid.u32;
	[bflag:$0x2] =	sbarrier.arrive $0xFFFF  }
0xb9: {  	p0 =	sne.s32 s31, $0x0;
	s0 =	rddreg [dreg:$0x2]  }
0xba: {  	s0 =	sadd.s32 @!p0 $0x100000, s0  }
0xbb: {  	[sflag:s0] =	ssyncadd.tile.s32 @!p0 $0x1;
	_ =	shalt  }
.Lfunc_end1:
_tile_overlayer_lowered:
.L_overlay_start_2:
0xbc: {  	(tag) =	ssettag $0x2  }
0xbd: {  	s0 =	rddreg [dreg:$0x0];
	s2 =	stileid.u32  }
0xbe: {  	s1 =	rddreg [dreg:$0x1];
	p0 =	sne.s32 s2, $0x0  }
0xbf: {  	s3 =	rddreg [dreg:$0x2];
	[bflag:$0x3] =	sbarrier.arrive $0xFFFF;
	s2 =	simm.s32 @!p0 $0x1C01  }
0xc0: {  	[timem:s3], [sflag:s2] =	dma.local @!p0 [hbm:s0], s1  }
0xc1: {  	s0 =	simm.s32 @!p0 $0x1  }
0xc2: {  	_ =	swait.ge @!p0 [sflag:s0], s1  }
0xc3: {  	s1 =	ssub.s32 @!p0 $0x0, s1;
	[sflag:s0] =	ssyncset.done @!p0 $0x0  }
0xc4: {  	[sflag:s0] =	ssyncadd.s32 @!p0 s1  }
0xc5: {  	[bflag:$0x3] =	sbarrier.arrive $0xFFFF  }
0xc6: {  	_ =	shalt  }

</sc_bundles>
